<compile_context>
chip_gen: v7x
topology: tpu7x:2x2x1
jax: 0.10.2.dev20260603
libtpu: 0.0.44.dev20260713+nightly
codegen_flags: <defaults>
</compile_context>

<pallas_src>
import functools

import jax
import jax.numpy as jnp
from jax import lax
from jax.experimental import pallas as pl
from jax.experimental.pallas import tpu as pltpu
from jax.experimental.pallas import tpu_sc as plsc

B = 16384
CAT_DIM = 64
VOCAB_TILES = 1000000 // 8
PORT_DIM = 16
NUM_DIM = 16
OCTET_DIM = 32



_NUM_CORES = 2
_NUM_SUBCORES = 16


@functools.cache
def _make_cat_gather():
    nw = _NUM_CORES * _NUM_SUBCORES
    b_per_w = B // nw
    mesh = plsc.VectorSubcoreMesh(core_axis_name="c", subcore_axis_name="s")

    @functools.partial(
        pl.kernel,
        mesh=mesh,
        out_type=jax.ShapeDtypeStruct((B, 128), jnp.float32),
        scratch_types=[
            pltpu.VMEM((b_per_w,), jnp.int32),
            pltpu.VMEM((b_per_w, 128), jnp.float32),
            pltpu.SemaphoreType.DMA,
        ],
    )
    def cat_gather(idx_hbm, dense_hbm, out_hbm, idx_v, rows_v, sem):
        wid = lax.axis_index("s") * _NUM_CORES + lax.axis_index("c")
        base = wid * b_per_w
        pltpu.sync_copy(idx_hbm.at[pl.ds(base, b_per_w)], idx_v)
        pltpu.async_copy(dense_hbm.at[idx_v], rows_v, sem).wait()
        pltpu.sync_copy(rows_v, out_hbm.at[pl.ds(base, b_per_w)])

    return cat_gather


_RELAY_CH = 250
_RELAY_GRID = VOCAB_TILES // _RELAY_CH


def _relayout_body(src_ref, dst_ref):
    dst_ref[:, :, 0:CAT_DIM] = src_ref[...]


_relayout_call = pl.pallas_call(
    _relayout_body,
    grid=(_RELAY_GRID,),
    in_specs=[pl.BlockSpec((_RELAY_CH, 8, CAT_DIM), lambda i: (i, 0, 0))],
    out_specs=pl.BlockSpec((_RELAY_CH, 8, 128), lambda i: (i, 0, 0)),
    out_shape=jax.ShapeDtypeStruct((VOCAB_TILES, 8, 128), jnp.float32),
)


def _make_relayout():
    return _relayout_call


_BLK = 512
_GRID = B // _BLK


def _heads_body(port_ref, num_ref, ip_ref, mac_ref,
                port_tab_ref, num_w_ref, num_b_ref,
                ip_tab_ref, ip_w_ref, ip_b_ref,
                mac_tab_ref, mac_w_ref, mac_b_ref,
                port_out_ref, num_out_ref, ip_out_ref, mac_out_ref,
                fold_ip_ref, fold_mac_ref):
    @pl.when(pl.program_id(0) == 0)
    def _fold():
        for (w_ref, tab_ref, fold_ref, n_oct) in (
                (ip_w_ref, ip_tab_ref, fold_ip_ref, 4),
                (mac_w_ref, mac_tab_ref, fold_mac_ref, 6)):
            w0 = w_ref[0]
            w1 = w_ref[1]
            w2 = w_ref[2]
            a_first = w0 + w1
            a_mid = w0 + w1 + w2
            a_last = w1 + w2
            scale = 1.0 / n_oct
            for j in range(n_oct):
                a = a_first if j == 0 else (a_last if j == n_oct - 1 else a_mid)
                f = lax.dot_general(tab_ref[j], a, (((1,), (1,)), ((), ())),
                                    preferred_element_type=jnp.float32)
                fold_ref[j * 256:(j + 1) * 256, :] = f * scale

    f32 = jnp.float32
    pb = port_ref[0, 0, :]
    oh4 = (pb[:, None] == lax.broadcasted_iota(jnp.int32, (_BLK, 4), 1))
    port_out_ref[...] = jnp.dot(oh4.astype(f32), port_tab_ref[...],
                                preferred_element_type=f32)
    nb = num_ref[0, 0, :]
    num_out_ref[...] = nb[:, None] * num_w_ref[0, :][None, :] + num_b_ref[0, :][None, :]

    iota256 = lax.broadcasted_iota(jnp.int32, (_BLK, 256), 1)
    for (idx_ref, fold_ref, b_ref, out_ref, n_oct) in (
            (ip_ref, fold_ip_ref, ip_b_ref, ip_out_ref, 4),
            (mac_ref, fold_mac_ref, mac_b_ref, mac_out_ref, 6)):
        idx = idx_ref[0]
        acc = jnp.broadcast_to(b_ref[0, :][None, :], (_BLK, OCTET_DIM))
        for j in range(n_oct):
            oh = (idx[:, j:j + 1] == iota256).astype(f32)
            acc = acc + jnp.dot(oh, fold_ref[j * 256:(j + 1) * 256, :],
                                preferred_element_type=f32)
        out_ref[...] = acc


def _whole(shape):
    nd = len(shape)
    return pl.BlockSpec(shape, lambda i, _nd=nd: (0,) * _nd)


_HEADS_IN_SPECS = [
        pl.BlockSpec((1, 1, _BLK), lambda i: (i, 0, 0)),
        pl.BlockSpec((1, 1, _BLK), lambda i: (i, 0, 0)),
        pl.BlockSpec((1, _BLK, 4), lambda i: (i, 0, 0)),
        pl.BlockSpec((1, _BLK, 6), lambda i: (i, 0, 0)),
        _whole((4, PORT_DIM)),
        _whole((1, NUM_DIM)),
        _whole((1, NUM_DIM)),
        _whole((4, 256, OCTET_DIM)),
        _whole((3, OCTET_DIM, OCTET_DIM)),
        _whole((1, OCTET_DIM)),
        _whole((6, 256, OCTET_DIM)),
        _whole((3, OCTET_DIM, OCTET_DIM)),
        _whole((1, OCTET_DIM)),
]
_HEADS_OUT_SPECS = [
    pl.BlockSpec((_BLK, PORT_DIM), lambda i: (i, 0)),
    pl.BlockSpec((_BLK, NUM_DIM), lambda i: (i, 0)),
    pl.BlockSpec((_BLK, OCTET_DIM), lambda i: (i, 0)),
    pl.BlockSpec((_BLK, OCTET_DIM), lambda i: (i, 0)),
]
_HEADS_OUT_SHAPE = [
    jax.ShapeDtypeStruct((B, PORT_DIM), jnp.float32),
    jax.ShapeDtypeStruct((B, NUM_DIM), jnp.float32),
    jax.ShapeDtypeStruct((B, OCTET_DIM), jnp.float32),
    jax.ShapeDtypeStruct((B, OCTET_DIM), jnp.float32),
]
_HEADS_SCRATCH = [
    pltpu.VMEM((4 * 256, OCTET_DIM), jnp.float32),
    pltpu.VMEM((6 * 256, OCTET_DIM), jnp.float32),
]

_heads_call = pl.pallas_call(
    _heads_body,
    grid=(_GRID,),
    in_specs=_HEADS_IN_SPECS,
    out_specs=_HEADS_OUT_SPECS,
    out_shape=_HEADS_OUT_SHAPE,
    scratch_shapes=_HEADS_SCRATCH,
)


def kernel(cat_field, port_field, num_field, ip_field, mac_field,
           cat_table, port_table, num_w, num_b,
           ip_tables, ip_conv_w, ip_conv_b,
           mac_tables, mac_conv_w, mac_conv_b):
    dense = _make_relayout()(cat_table.reshape(VOCAB_TILES, 8, CAT_DIM))
    cat128 = _make_cat_gather()(cat_field.astype(jnp.int32),
                                dense.reshape(VOCAB_TILES * 8, 128))
    cat_emb = cat128[:, :CAT_DIM]
    port_emb, num_emb, ip_emb, mac_emb = _heads_call(
        port_field.reshape(_GRID, 1, _BLK),
        num_field.reshape(_GRID, 1, _BLK),
        ip_field.reshape(_GRID, _BLK, 4),
        mac_field.reshape(_GRID, _BLK, 6),
        port_table,
        num_w.reshape(1, NUM_DIM),
        num_b.reshape(1, NUM_DIM),
        ip_tables,
        jnp.transpose(ip_conv_w, (2, 0, 1)),
        ip_conv_b.reshape(1, OCTET_DIM),
        mac_tables,
        jnp.transpose(mac_conv_w, (2, 0, 1)),
        mac_conv_b.reshape(1, OCTET_DIM),
    )
    return (cat_emb, port_emb, num_emb, ip_emb, mac_emb)

# --- scband reference (transcript-rebuilt; emitter-appended) ---
"""Pipeline reference for scband-field-embedding-29523605192957 (READ-ONLY COPY).

The authoritative reference and input builder live on the scoring server;
editing this copy changes nothing except your own understanding.
"""

import jax, jax.numpy as jnp
import numpy as np

B = 16384
VOCAB = 1000000
CAT_DIM = 64
PORT_DIM = 16
NUM_DIM = 16
OCTET_DIM = 32


def conv1d(x, w, b):
    # x: [B, C, L], w: [O, I, K], padding=1 (same)
    y = jax.lax.conv_general_dilated(x, w, window_strides=(1,), padding=[(1, 1)],
                                     dimension_numbers=('NCH', 'OIH', 'NCH'))
    return y + b[None, :, None]


def setup_inputs(seed: int = 0) -> dict:
    key = jax.random.key(seed)
    ks = jax.random.split(key, 16)
    cat_field = jax.random.randint(ks[0], (B,), 0, VOCAB, dtype=jnp.int64 if jax.config.jax_enable_x64 else jnp.int32)
    port_field = jax.random.randint(ks[1], (B,), 0, 4, dtype=jnp.int32)
    num_field = jax.random.normal(ks[2], (B,), dtype=jnp.float32)
    ip_field = jax.random.randint(ks[3], (B, 4), 0, 256, dtype=jnp.int32)
    mac_field = jax.random.randint(ks[4], (B, 6), 0, 256, dtype=jnp.int32)
    # learned parameters
    cat_table = jax.random.normal(ks[5], (VOCAB, CAT_DIM), dtype=jnp.float32) * 0.02
    port_table = jax.random.normal(ks[6], (4, PORT_DIM), dtype=jnp.float32) * 0.02
    num_w = jax.random.normal(ks[7], (NUM_DIM, 1), dtype=jnp.float32) * 0.5
    num_b = jax.random.normal(ks[8], (NUM_DIM,), dtype=jnp.float32) * 0.1
    ip_tables = jax.random.normal(ks[9], (4, 256, OCTET_DIM), dtype=jnp.float32) * 0.02
    ip_conv_w = jax.random.normal(ks[10], (OCTET_DIM, OCTET_DIM, 3), dtype=jnp.float32) * 0.1
    ip_conv_b = jax.random.normal(ks[11], (OCTET_DIM,), dtype=jnp.float32) * 0.1
    mac_tables = jax.random.normal(ks[12], (6, 256, OCTET_DIM), dtype=jnp.float32) * 0.02
    mac_conv_w = jax.random.normal(ks[13], (OCTET_DIM, OCTET_DIM, 3), dtype=jnp.float32) * 0.1
    mac_conv_b = jax.random.normal(ks[14], (OCTET_DIM,), dtype=jnp.float32) * 0.1
    return {"cat_field": cat_field, "port_field": port_field, "num_field": num_field,
            "ip_field": ip_field, "mac_field": mac_field,
            "cat_table": cat_table, "port_table": port_table,
            "num_w": num_w, "num_b": num_b,
            "ip_tables": ip_tables, "ip_conv_w": ip_conv_w, "ip_conv_b": ip_conv_b,
            "mac_tables": mac_tables, "mac_conv_w": mac_conv_w, "mac_conv_b": mac_conv_b}


def _address_embed(idx, tables, conv_w, conv_b, n_octets):
    # per-octet embedding lookup, stack -> [B, n_octets, D]
    embedded = jnp.stack([jnp.take(tables[i], idx[:, i], axis=0) for i in range(n_octets)], axis=1)
    x = jnp.transpose(embedded, (0, 2, 1))  # [B, D, n_octets]
    x = conv1d(x, conv_w, conv_b)
    return jnp.mean(x, axis=2)  # [B, D]


def reference(cat_field, port_field, num_field, ip_field, mac_field,
              cat_table, port_table, num_w, num_b,
              ip_tables, ip_conv_w, ip_conv_b,
              mac_tables, mac_conv_w, mac_conv_b):
    # categorical: plain embedding lookup
    cat_emb = jnp.take(cat_table, cat_field, axis=0)
    # port_binned: small vocab embedding
    port_emb = jnp.take(port_table, port_field, axis=0)
    # numerical: Linear(1, dim)
    num_x = num_field.reshape(-1, 1).astype(jnp.float32)
    num_emb = num_x @ num_w.T + num_b[None, :]
    # address_ipv4: 4 octet embeddings + Conv1d aggregation + mean
    ip_emb = _address_embed(ip_field, ip_tables, ip_conv_w, ip_conv_b, 4)
    # address_mac: 6 octet embeddings + Conv1d aggregation + mean
    mac_emb = _address_embed(mac_field, mac_tables, mac_conv_w, mac_conv_b, 6)
    return (cat_emb, port_emb, num_emb, ip_emb, mac_emb)

if __name__ == "__main__":
    import jax
    _d = setup_inputs()
    print(jax.jit(kernel)(*tuple(_d.values())))

</pallas_src>

<mosaic_0001>
#map = affine_map<(d0, d1) -> (0)>
#map1 = affine_map<(d0, d1) -> (0, 0)>
module attributes {stable_mosaic.version = 14 : i64} {
  func.func @cat_gather(%arg0: i32, %arg1: i32, %arg2: memref<16384xi32, #tpu.memory_space<hbm>>, %arg3: memref<1000000x128xf32, #tpu.memory_space<hbm>>, %arg4: memref<16384x128xf32, #tpu.memory_space<hbm>>, %arg5: memref<512xi32, #tpu.memory_space<vmem>>, %arg6: memref<512x128xf32, #tpu.memory_space<vmem>>, %arg7: memref<!tpu.dma_semaphore, #tpu.memory_space<semaphore_mem>>) attributes {dimension_semantics = [#tpu.dimension_semantics<core_parallel>, #tpu.dimension_semantics<subcore_parallel>], iteration_bounds = array<i64: 2, 16>, scalar_prefetch = 0 : i64, scratch_operands = 3 : i64, tpu.core_type = #tpu.core_type<sc_vector_subcore>, window_params = [{transform_indices = #map}, {transform_indices = #map1}, {transform_indices = #map1}]} {
    %mul3A = arith.constant 2 : i32
    %mul3A_0 = arith.muli %arg1, %mul3A : i32
    %add3A = arith.addi %mul3A_0, %arg0 : i32
    %mul3A_1 = arith.constant 512 : i32
    %mul3A_2 = arith.muli %add3A, %mul3A_1 : i32
    "tpu.region"() ({
      %run_scoped3A = tpu.sem_alloc : memref<!tpu.dma_semaphore, #tpu.memory_space<semaphore_mem>>
      %dma_start3A_7 = tpu.memref_slice %arg2[%mul3A_2] : memref<16384xi32, #tpu.memory_space<hbm>> -> memref<512xi32, #tpu.memory_space<hbm>>
      %dma_start3A_8 = tpu.memref_slice %arg2[%mul3A_2] : memref<16384xi32, #tpu.memory_space<hbm>> -> memref<512xi32, #tpu.memory_space<hbm>>
      tpu.enqueue_dma source(%dma_start3A_8 : memref<512xi32, #tpu.memory_space<hbm>>) target(%arg5 : memref<512xi32, #tpu.memory_space<vmem>>) target_semaphore(%run_scoped3A : memref<!tpu.dma_semaphore, #tpu.memory_space<semaphore_mem>>)
      %dma_wait3A_9 = tpu.memref_slice %arg2[%mul3A_2] : memref<16384xi32, #tpu.memory_space<hbm>> -> memref<512xi32, #tpu.memory_space<hbm>>
      %dma_wait3A_10 = tpu.memref_slice %arg2[%mul3A_2] : memref<16384xi32, #tpu.memory_space<hbm>> -> memref<512xi32, #tpu.memory_space<hbm>>
      tpu.wait_dma2 semaphore(%run_scoped3A : memref<!tpu.dma_semaphore, #tpu.memory_space<semaphore_mem>>) src(%dma_wait3A_10 : memref<512xi32, #tpu.memory_space<hbm>>) dst(%arg5 : memref<512xi32, #tpu.memory_space<vmem>>)
      tpu.yield
    }) : () -> ()
    %dma_start3A = arith.constant 0 : i32
    %dma_start3A_3 = arith.constant 0 : i32
    %dma_start3A_4 = tpu.memref_slice %arg3[%dma_start3A, %dma_start3A_3] : memref<1000000x128xf32, #tpu.memory_space<hbm>> -> memref<1000000x128xf32, #tpu.memory_space<hbm>>
    tpu.enqueue_indirect_dma source(%dma_start3A_4 : memref<1000000x128xf32, #tpu.memory_space<hbm>>) target(%arg6 : memref<512x128xf32, #tpu.memory_space<vmem>>) offsets(%arg5 : memref<512xi32, #tpu.memory_space<vmem>>) semaphore(%arg7 : memref<!tpu.dma_semaphore, #tpu.memory_space<semaphore_mem>>)
    %dma_wait3A = arith.constant 0 : i32
    %dma_wait3A_5 = arith.constant 0 : i32
    %dma_wait3A_6 = tpu.memref_slice %arg3[%dma_wait3A, %dma_wait3A_5] : memref<1000000x128xf32, #tpu.memory_space<hbm>> -> memref<1000000x128xf32, #tpu.memory_space<hbm>>
    tpu.wait_indirect_dma semaphore(%arg7 : memref<!tpu.dma_semaphore, #tpu.memory_space<semaphore_mem>>) src(%dma_wait3A_6 : memref<1000000x128xf32, #tpu.memory_space<hbm>>) dst(%arg6 : memref<512x128xf32, #tpu.memory_space<vmem>>)
    "tpu.region"() ({
      %run_scoped3A = tpu.sem_alloc : memref<!tpu.dma_semaphore, #tpu.memory_space<semaphore_mem>>
      %dma_start3A_7 = arith.constant 0 : i32
      %dma_start3A_8 = tpu.memref_slice %arg4[%mul3A_2, %dma_start3A_7] : memref<16384x128xf32, #tpu.memory_space<hbm>> -> memref<512x128xf32, #tpu.memory_space<hbm>>
      %dma_start3A_9 = arith.constant 0 : i32
      %dma_start3A_10 = tpu.memref_slice %arg4[%mul3A_2, %dma_start3A_9] : memref<16384x128xf32, #tpu.memory_space<hbm>> -> memref<512x128xf32, #tpu.memory_space<hbm>>
      tpu.enqueue_dma source(%arg6 : memref<512x128xf32, #tpu.memory_space<vmem>>) target(%dma_start3A_10 : memref<512x128xf32, #tpu.memory_space<hbm>>) target_semaphore(%run_scoped3A : memref<!tpu.dma_semaphore, #tpu.memory_space<semaphore_mem>>)
      %dma_wait3A_11 = arith.constant 0 : i32
      %dma_wait3A_12 = tpu.memref_slice %arg4[%mul3A_2, %dma_wait3A_11] : memref<16384x128xf32, #tpu.memory_space<hbm>> -> memref<512x128xf32, #tpu.memory_space<hbm>>
      %dma_wait3A_13 = arith.constant 0 : i32
      %dma_wait3A_14 = tpu.memref_slice %arg4[%mul3A_2, %dma_wait3A_13] : memref<16384x128xf32, #tpu.memory_space<hbm>> -> memref<512x128xf32, #tpu.memory_space<hbm>>
      tpu.wait_dma2 semaphore(%run_scoped3A : memref<!tpu.dma_semaphore, #tpu.memory_space<semaphore_mem>>) src(%arg6 : memref<512x128xf32, #tpu.memory_space<vmem>>) dst(%dma_wait3A_14 : memref<512x128xf32, #tpu.memory_space<hbm>>)
      tpu.yield
    }) : () -> ()
    return
  }
}

module attributes {stable_mosaic.version = 14 : i64} {
  func.func @_relayout_body(%arg0: i32, %arg1: memref<250x8x64xf32, #tpu.memory_space<vmem>>, %arg2: memref<250x8x128xf32, #tpu.memory_space<vmem>>) attributes {dimension_semantics = [#tpu.dimension_semantics<arbitrary>], iteration_bounds = array<i64: 500>, scalar_prefetch = 0 : i64, scratch_operands = 0 : i64, tpu.core_type = #tpu.core_type<tc>, window_params = [{transform_indices = @transform_0, window_bounds = array<i64: 250, 8, 64>}, {transform_indices = @transform_1, window_bounds = array<i64: 250, 8, 128>}]} {
    %get3A = arith.constant 0 : index
    %get3A_0 = arith.constant 0 : index
    %get3A_1 = arith.constant 0 : index
    %get3A_2 = vector.load %arg1[%get3A, %get3A_0, %get3A_1] : memref<250x8x64xf32, #tpu.memory_space<vmem>>, vector<250x8x64xf32>
    %swap3A = arith.constant 0 : index
    %swap3A_3 = arith.constant 0 : index
    %swap3A_4 = arith.constant 0 : index
    %swap3A_5 = vector.load %arg2[%swap3A, %swap3A_3, %swap3A_4] : memref<250x8x128xf32, #tpu.memory_space<vmem>>, vector<250x8x64xf32>
    tpu.vector_store %arg2[%swap3A, %swap3A_3, %swap3A_4], %get3A_2 {strides = array<i32>} : memref<250x8x128xf32, #tpu.memory_space<vmem>>, vector<250x8x64xf32>,
    return
  }
  func.func @transform_0(%arg0: i32) -> (i32, i32, i32) {
    %c0_i32 = arith.constant 0 : i32
    %c0_i32_0 = arith.constant 0 : i32
    %c0_i32_1 = arith.constant 0 : i32
    return %arg0, %c0_i32, %c0_i32_0 : i32, i32, i32
  }
  func.func @transform_1(%arg0: i32) -> (i32, i32, i32) {
    %c0_i32 = arith.constant 0 : i32
    %c0_i32_0 = arith.constant 0 : i32
    %c0_i32_1 = arith.constant 0 : i32
    return %arg0, %c0_i32, %c0_i32_0 : i32, i32, i32
  }
}

module attributes {stable_mosaic.version = 14 : i64} {
  func.func @_heads_body(%arg0: i32, %arg1: memref<1x1x512xi32, #tpu.memory_space<vmem>>, %arg2: memref<1x1x512xf32, #tpu.memory_space<vmem>>, %arg3: memref<1x512x4xi32, #tpu.memory_space<vmem>>, %arg4: memref<1x512x6xi32, #tpu.memory_space<vmem>>, %arg5: memref<4x16xf32, #tpu.memory_space<vmem>>, %arg6: memref<1x16xf32, #tpu.memory_space<vmem>>, %arg7: memref<1x16xf32, #tpu.memory_space<vmem>>, %arg8: memref<4x256x32xf32, #tpu.memory_space<vmem>>, %arg9: memref<3x32x32xf32, #tpu.memory_space<vmem>>, %arg10: memref<1x32xf32, #tpu.memory_space<vmem>>, %arg11: memref<6x256x32xf32, #tpu.memory_space<vmem>>, %arg12: memref<3x32x32xf32, #tpu.memory_space<vmem>>, %arg13: memref<1x32xf32, #tpu.memory_space<vmem>>, %arg14: memref<512x16xf32, #tpu.memory_space<vmem>>, %arg15: memref<512x16xf32, #tpu.memory_space<vmem>>, %arg16: memref<512x32xf32, #tpu.memory_space<vmem>>, %arg17: memref<512x32xf32, #tpu.memory_space<vmem>>, %arg18: memref<1024x32xf32, #tpu.memory_space<vmem>>, %arg19: memref<1536x32xf32, #tpu.memory_space<vmem>>) attributes {dimension_semantics = [#tpu.dimension_semantics<arbitrary>], iteration_bounds = array<i64: 32>, scalar_prefetch = 0 : i64, scratch_operands = 2 : i64, tpu.core_type = #tpu.core_type<tc>, window_params = [{transform_indices = @transform_0, window_bounds = array<i64: 1, 1, 512>}, {transform_indices = @transform_1, window_bounds = array<i64: 1, 1, 512>}, {transform_indices = @transform_2, window_bounds = array<i64: 1, 512, 4>}, {transform_indices = @transform_3, window_bounds = array<i64: 1, 512, 6>}, {pipeline_mode = #tpu.pipeline_mode<synchronous>, transform_indices = @transform_4, window_bounds = array<i64: 4, 16>}, {pipeline_mode = #tpu.pipeline_mode<synchronous>, transform_indices = @transform_5, window_bounds = array<i64: 1, 16>}, {pipeline_mode = #tpu.pipeline_mode<synchronous>, transform_indices = @transform_6, window_bounds = array<i64: 1, 16>}, {pipeline_mode = #tpu.pipeline_mode<synchronous>, transform_indices = @transform_7, window_bounds = array<i64: 4, 256, 32>}, {pipeline_mode = #tpu.pipeline_mode<synchronous>, transform_indices = @transform_8, window_bounds = array<i64: 3, 32, 32>}, {pipeline_mode = #tpu.pipeline_mode<synchronous>, transform_indices = @transform_9, window_bounds = array<i64: 1, 32>}, {pipeline_mode = #tpu.pipeline_mode<synchronous>, transform_indices = @transform_10, window_bounds = array<i64: 6, 256, 32>}, {pipeline_mode = #tpu.pipeline_mode<synchronous>, transform_indices = @transform_11, window_bounds = array<i64: 3, 32, 32>}, {pipeline_mode = #tpu.pipeline_mode<synchronous>, transform_indices = @transform_12, window_bounds = array<i64: 1, 32>}, {transform_indices = @transform_13, window_bounds = array<i64: 512, 16>}, {transform_indices = @transform_14, window_bounds = array<i64: 512, 16>}, {transform_indices = @transform_15, window_bounds = array<i64: 512, 32>}, {transform_indices = @transform_16, window_bounds = array<i64: 512, 32>}]} {
    %eq3A = arith.constant 0 : i32
    %eq3A_0 = arith.cmpi eq, %arg0, %eq3A : i32
    %convert_element_type3A = arith.extui %eq3A_0 : i1 to i32
    %cond3A = arith.constant 0 : i32
    %cond3A_1 = arith.cmpi ne, %convert_element_type3A, %cond3A : i32
    scf.if %cond3A_1 {
      %get3A_178 = arith.constant 0 : index
      %get3A_179 = arith.constant 0 : index
      %get3A_180 = arith.constant 0 : index
      %get3A_181 = vector.load %arg9[%get3A_178, %get3A_179, %get3A_180] : memref<3x32x32xf32, #tpu.memory_space<vmem>>, vector<1x32x32xf32>
      %get3A_182 = vector.shape_cast %get3A_181 : vector<1x32x32xf32> to vector<32x32xf32>
      %get3A_183 = arith.constant 1 : index
      %get3A_184 = arith.constant 0 : index
      %get3A_185 = arith.constant 0 : index
      %get3A_186 = vector.load %arg9[%get3A_183, %get3A_184, %get3A_185] : memref<3x32x32xf32, #tpu.memory_space<vmem>>, vector<1x32x32xf32>
      %get3A_187 = vector.shape_cast %get3A_186 : vector<1x32x32xf32> to vector<32x32xf32>
      %get3A_188 = arith.constant 2 : index
      %get3A_189 = arith.constant 0 : index
      %get3A_190 = arith.constant 0 : index
      %get3A_191 = vector.load %arg9[%get3A_188, %get3A_189, %get3A_190] : memref<3x32x32xf32, #tpu.memory_space<vmem>>, vector<1x32x32xf32>
      %get3A_192 = vector.shape_cast %get3A_191 : vector<1x32x32xf32> to vector<32x32xf32>
      %add3A_193 = arith.addf %get3A_182, %get3A_187 : vector<32x32xf32>
      %add3A_194 = arith.addf %get3A_182, %get3A_187 : vector<32x32xf32>
      %add3A_195 = arith.addf %add3A_194, %get3A_192 : vector<32x32xf32>
      %add3A_196 = arith.addf %get3A_187, %get3A_192 : vector<32x32xf32>
      %get3A_197 = arith.constant 0 : index
      %get3A_198 = arith.constant 0 : index
      %get3A_199 = arith.constant 0 : index
      %get3A_200 = vector.load %arg8[%get3A_197, %get3A_198, %get3A_199] : memref<4x256x32xf32, #tpu.memory_space<vmem>>, vector<1x256x32xf32>
      %get3A_201 = vector.shape_cast %get3A_200 : vector<1x256x32xf32> to vector<256x32xf32>
      %dot_general3A_202 = arith.constant dense<0.000000e+00> : vector<256x32xf32>
      %dot_general3A_203 = tpu.matmul %get3A_201, %add3A_193, %dot_general3A_202 {dimension_numbers = #tpu.dot_dimension_numbers<[1], [1], [0], [0], [0, 0, 1, 0], [], []>, transpose_lhs_hint = false} : vector<256x32xf32>, vector<32x32xf32>, vector<256x32xf32> -> vector<256x32xf32>
      %mul3A_204 = arith.constant 2.500000e-01 : f32
      %mul3A_205 = vector.broadcast %mul3A_204 : f32 to vector<256x32xf32>
      %mul3A_206 = arith.mulf %dot_general3A_203, %mul3A_205 : vector<256x32xf32>
      %swap3A_207 = arith.constant 0 : index
      %swap3A_208 = arith.constant 0 : index
      %swap3A_209 = vector.load %arg18[%swap3A_207, %swap3A_208] : memref<1024x32xf32, #tpu.memory_space<vmem>>, vector<256x32xf32>
      tpu.vector_store %arg18[%swap3A_207, %swap3A_208], %mul3A_206 {strides = array<i32>} : memref<1024x32xf32, #tpu.memory_space<vmem>>, vector<256x32xf32>,
      %get3A_210 = arith.constant 1 : index
      %get3A_211 = arith.constant 0 : index
      %get3A_212 = arith.constant 0 : index
      %get3A_213 = vector.load %arg8[%get3A_210, %get3A_211, %get3A_212] : memref<4x256x32xf32, #tpu.memory_space<vmem>>, vector<1x256x32xf32>
      %get3A_214 = vector.shape_cast %get3A_213 : vector<1x256x32xf32> to vector<256x32xf32>
      %dot_general3A_215 = arith.constant dense<0.000000e+00> : vector<256x32xf32>
      %dot_general3A_216 = tpu.matmul %get3A_214, %add3A_195, %dot_general3A_215 {dimension_numbers = #tpu.dot_dimension_numbers<[1], [1], [0], [0], [0, 0, 1, 0], [], []>, transpose_lhs_hint = false} : vector<256x32xf32>, vector<32x32xf32>, vector<256x32xf32> -> vector<256x32xf32>
      %mul3A_217 = arith.constant 2.500000e-01 : f32
      %mul3A_218 = vector.broadcast %mul3A_217 : f32 to vector<256x32xf32>
      %mul3A_219 = arith.mulf %dot_general3A_216, %mul3A_218 : vector<256x32xf32>
      %swap3A_220 = arith.constant 256 : index
      %swap3A_221 = arith.constant 0 : index
      %swap3A_222 = vector.load %arg18[%swap3A_220, %swap3A_221] : memref<1024x32xf32, #tpu.memory_space<vmem>>, vector<256x32xf32>
      tpu.vector_store %arg18[%swap3A_220, %swap3A_221], %mul3A_219 {strides = array<i32>} : memref<1024x32xf32, #tpu.memory_space<vmem>>, vector<256x32xf32>,
      %get3A_223 = arith.constant 2 : index
      %get3A_224 = arith.constant 0 : index
      %get3A_225 = arith.constant 0 : index
      %get3A_226 = vector.load %arg8[%get3A_223, %get3A_224, %get3A_225] : memref<4x256x32xf32, #tpu.memory_space<vmem>>, vector<1x256x32xf32>
      %get3A_227 = vector.shape_cast %get3A_226 : vector<1x256x32xf32> to vector<256x32xf32>
      %dot_general3A_228 = arith.constant dense<0.000000e+00> : vector<256x32xf32>
      %dot_general3A_229 = tpu.matmul %get3A_227, %add3A_195, %dot_general3A_228 {dimension_numbers = #tpu.dot_dimension_numbers<[1], [1], [0], [0], [0, 0, 1, 0], [], []>, transpose_lhs_hint = false} : vector<256x32xf32>, vector<32x32xf32>, vector<256x32xf32> -> vector<256x32xf32>
      %mul3A_230 = arith.constant 2.500000e-01 : f32
      %mul3A_231 = vector.broadcast %mul3A_230 : f32 to vector<256x32xf32>
      %mul3A_232 = arith.mulf %dot_general3A_229, %mul3A_231 : vector<256x32xf32>
      %swap3A_233 = arith.constant 512 : index
      %swap3A_234 = arith.constant 0 : index
      %swap3A_235 = vector.load %arg18[%swap3A_233, %swap3A_234] : memref<1024x32xf32, #tpu.memory_space<vmem>>, vector<256x32xf32>
      tpu.vector_store %arg18[%swap3A_233, %swap3A_234], %mul3A_232 {strides = array<i32>} : memref<1024x32xf32, #tpu.memory_space<vmem>>, vector<256x32xf32>,
      %get3A_236 = arith.constant 3 : index
      %get3A_237 = arith.constant 0 : index
      %get3A_238 = arith.constant 0 : index
      %get3A_239 = vector.load %arg8[%get3A_236, %get3A_237, %get3A_238] : memref<4x256x32xf32, #tpu.memory_space<vmem>>, vector<1x256x32xf32>
      %get3A_240 = vector.shape_cast %get3A_239 : vector<1x256x32xf32> to vector<256x32xf32>
      %dot_general3A_241 = arith.constant dense<0.000000e+00> : vector<256x32xf32>
      %dot_general3A_242 = tpu.matmul %get3A_240, %add3A_196, %dot_general3A_241 {dimension_numbers = #tpu.dot_dimension_numbers<[1], [1], [0], [0], [0, 0, 1, 0], [], []>, transpose_lhs_hint = false} : vector<256x32xf32>, vector<32x32xf32>, vector<256x32xf32> -> vector<256x32xf32>
      %mul3A_243 = arith.constant 2.500000e-01 : f32
      %mul3A_244 = vector.broadcast %mul3A_243 : f32 to vector<256x32xf32>
      %mul3A_245 = arith.mulf %dot_general3A_242, %mul3A_244 : vector<256x32xf32>
      %swap3A_246 = arith.constant 768 : index
      %swap3A_247 = arith.constant 0 : index
      %swap3A_248 = vector.load %arg18[%swap3A_246, %swap3A_247] : memref<1024x32xf32, #tpu.memory_space<vmem>>, vector<256x32xf32>
      tpu.vector_store %arg18[%swap3A_246, %swap3A_247], %mul3A_245 {strides = array<i32>} : memref<1024x32xf32, #tpu.memory_space<vmem>>, vector<256x32xf32>,
      %get3A_249 = arith.constant 0 : index
      %get3A_250 = arith.constant 0 : index
      %get3A_251 = arith.constant 0 : index
      %get3A_252 = vector.load %arg12[%get3A_249, %get3A_250, %get3A_251] : memref<3x32x32xf32, #tpu.memory_space<vmem>>, vector<1x32x32xf32>
      %get3A_253 = vector.shape_cast %get3A_252 : vector<1x32x32xf32> to vector<32x32xf32>
      %get3A_254 = arith.constant 1 : index
      %get3A_255 = arith.constant 0 : index
      %get3A_256 = arith.constant 0 : index
      %get3A_257 = vector.load %arg12[%get3A_254, %get3A_255, %get3A_256] : memref<3x32x32xf32, #tpu.memory_space<vmem>>, vector<1x32x32xf32>
      %get3A_258 = vector.shape_cast %get3A_257 : vector<1x32x32xf32> to vector<32x32xf32>
      %get3A_259 = arith.constant 2 : index
      %get3A_260 = arith.constant 0 : index
      %get3A_261 = arith.constant 0 : index
      %get3A_262 = vector.load %arg12[%get3A_259, %get3A_260, %get3A_261] : memref<3x32x32xf32, #tpu.memory_space<vmem>>, vector<1x32x32xf32>
      %get3A_263 = vector.shape_cast %get3A_262 : vector<1x32x32xf32> to vector<32x32xf32>
      %add3A_264 = arith.addf %get3A_253, %get3A_258 : vector<32x32xf32>
      %add3A_265 = arith.addf %get3A_253, %get3A_258 : vector<32x32xf32>
      %add3A_266 = arith.addf %add3A_265, %get3A_263 : vector<32x32xf32>
      %add3A_267 = arith.addf %get3A_258, %get3A_263 : vector<32x32xf32>
      %get3A_268 = arith.constant 0 : index
      %get3A_269 = arith.constant 0 : index
      %get3A_270 = arith.constant 0 : index
      %get3A_271 = vector.load %arg11[%get3A_268, %get3A_269, %get3A_270] : memref<6x256x32xf32, #tpu.memory_space<vmem>>, vector<1x256x32xf32>
      %get3A_272 = vector.shape_cast %get3A_271 : vector<1x256x32xf32> to vector<256x32xf32>
      %dot_general3A_273 = arith.constant dense<0.000000e+00> : vector<256x32xf32>
      %dot_general3A_274 = tpu.matmul %get3A_272, %add3A_264, %dot_general3A_273 {dimension_numbers = #tpu.dot_dimension_numbers<[1], [1], [0], [0], [0, 0, 1, 0], [], []>, transpose_lhs_hint = false} : vector<256x32xf32>, vector<32x32xf32>, vector<256x32xf32> -> vector<256x32xf32>
      %mul3A_275 = arith.constant 0.166666672 : f32
      %mul3A_276 = vector.broadcast %mul3A_275 : f32 to vector<256x32xf32>
      %mul3A_277 = arith.mulf %dot_general3A_274, %mul3A_276 : vector<256x32xf32>
      %swap3A_278 = arith.constant 0 : index
      %swap3A_279 = arith.constant 0 : index
      %swap3A_280 = vector.load %arg19[%swap3A_278, %swap3A_279] : memref<1536x32xf32, #tpu.memory_space<vmem>>, vector<256x32xf32>
      tpu.vector_store %arg19[%swap3A_278, %swap3A_279], %mul3A_277 {strides = array<i32>} : memref<1536x32xf32, #tpu.memory_space<vmem>>, vector<256x32xf32>,
      %get3A_281 = arith.constant 1 : index
      %get3A_282 = arith.constant 0 : index
      %get3A_283 = arith.constant 0 : index
      %get3A_284 = vector.load %arg11[%get3A_281, %get3A_282, %get3A_283] : memref<6x256x32xf32, #tpu.memory_space<vmem>>, vector<1x256x32xf32>
      %get3A_285 = vector.shape_cast %get3A_284 : vector<1x256x32xf32> to vector<256x32xf32>
      %dot_general3A_286 = arith.constant dense<0.000000e+00> : vector<256x32xf32>
      %dot_general3A_287 = tpu.matmul %get3A_285, %add3A_266, %dot_general3A_286 {dimension_numbers = #tpu.dot_dimension_numbers<[1], [1], [0], [0], [0, 0, 1, 0], [], []>, transpose_lhs_hint = false} : vector<256x32xf32>, vector<32x32xf32>, vector<256x32xf32> -> vector<256x32xf32>
      %mul3A_288 = arith.constant 0.166666672 : f32
      %mul3A_289 = vector.broadcast %mul3A_288 : f32 to vector<256x32xf32>
      %mul3A_290 = arith.mulf %dot_general3A_287, %mul3A_289 : vector<256x32xf32>
      %swap3A_291 = arith.constant 256 : index
      %swap3A_292 = arith.constant 0 : index
      %swap3A_293 = vector.load %arg19[%swap3A_291, %swap3A_292] : memref<1536x32xf32, #tpu.memory_space<vmem>>, vector<256x32xf32>
      tpu.vector_store %arg19[%swap3A_291, %swap3A_292], %mul3A_290 {strides = array<i32>} : memref<1536x32xf32, #tpu.memory_space<vmem>>, vector<256x32xf32>,
      %get3A_294 = arith.constant 2 : index
      %get3A_295 = arith.constant 0 : index
      %get3A_296 = arith.constant 0 : index
      %get3A_297 = vector.load %arg11[%get3A_294, %get3A_295, %get3A_296] : memref<6x256x32xf32, #tpu.memory_space<vmem>>, vector<1x256x32xf32>
      %get3A_298 = vector.shape_cast %get3A_297 : vector<1x256x32xf32> to vector<256x32xf32>
      %dot_general3A_299 = arith.constant dense<0.000000e+00> : vector<256x32xf32>
      %dot_general3A_300 = tpu.matmul %get3A_298, %add3A_266, %dot_general3A_299 {dimension_numbers = #tpu.dot_dimension_numbers<[1], [1], [0], [0], [0, 0, 1, 0], [], []>, transpose_lhs_hint = false} : vector<256x32xf32>, vector<32x32xf32>, vector<256x32xf32> -> vector<256x32xf32>
      %mul3A_301 = arith.constant 0.166666672 : f32
      %mul3A_302 = vector.broadcast %mul3A_301 : f32 to vector<256x32xf32>
      %mul3A_303 = arith.mulf %dot_general3A_300, %mul3A_302 : vector<256x32xf32>
      %swap3A_304 = arith.constant 512 : index
      %swap3A_305 = arith.constant 0 : index
      %swap3A_306 = vector.load %arg19[%swap3A_304, %swap3A_305] : memref<1536x32xf32, #tpu.memory_space<vmem>>, vector<256x32xf32>
      tpu.vector_store %arg19[%swap3A_304, %swap3A_305], %mul3A_303 {strides = array<i32>} : memref<1536x32xf32, #tpu.memory_space<vmem>>, vector<256x32xf32>,
      %get3A_307 = arith.constant 3 : index
      %get3A_308 = arith.constant 0 : index
      %get3A_309 = arith.constant 0 : index
      %get3A_310 = vector.load %arg11[%get3A_307, %get3A_308, %get3A_309] : memref<6x256x32xf32, #tpu.memory_space<vmem>>, vector<1x256x32xf32>
      %get3A_311 = vector.shape_cast %get3A_310 : vector<1x256x32xf32> to vector<256x32xf32>
      %dot_general3A_312 = arith.constant dense<0.000000e+00> : vector<256x32xf32>
      %dot_general3A_313 = tpu.matmul %get3A_311, %add3A_266, %dot_general3A_312 {dimension_numbers = #tpu.dot_dimension_numbers<[1], [1], [0], [0], [0, 0, 1, 0], [], []>, transpose_lhs_hint = false} : vector<256x32xf32>, vector<32x32xf32>, vector<256x32xf32> -> vector<256x32xf32>
      %mul3A_314 = arith.constant 0.166666672 : f32
      %mul3A_315 = vector.broadcast %mul3A_314 : f32 to vector<256x32xf32>
      %mul3A_316 = arith.mulf %dot_general3A_313, %mul3A_315 : vector<256x32xf32>
      %swap3A_317 = arith.constant 768 : index
      %swap3A_318 = arith.constant 0 : index
      %swap3A_319 = vector.load %arg19[%swap3A_317, %swap3A_318] : memref<1536x32xf32, #tpu.memory_space<vmem>>, vector<256x32xf32>
      tpu.vector_store %arg19[%swap3A_317, %swap3A_318], %mul3A_316 {strides = array<i32>} : memref<1536x32xf32, #tpu.memory_space<vmem>>, vector<256x32xf32>,
      %get3A_320 = arith.constant 4 : index
      %get3A_321 = arith.constant 0 : index
      %get3A_322 = arith.constant 0 : index
      %get3A_323 = vector.load %arg11[%get3A_320, %get3A_321, %get3A_322] : memref<6x256x32xf32, #tpu.memory_space<vmem>>, vector<1x256x32xf32>
      %get3A_324 = vector.shape_cast %get3A_323 : vector<1x256x32xf32> to vector<256x32xf32>
      %dot_general3A_325 = arith.constant dense<0.000000e+00> : vector<256x32xf32>
      %dot_general3A_326 = tpu.matmul %get3A_324, %add3A_266, %dot_general3A_325 {dimension_numbers = #tpu.dot_dimension_numbers<[1], [1], [0], [0], [0, 0, 1, 0], [], []>, transpose_lhs_hint = false} : vector<256x32xf32>, vector<32x32xf32>, vector<256x32xf32> -> vector<256x32xf32>
      %mul3A_327 = arith.constant 0.166666672 : f32
      %mul3A_328 = vector.broadcast %mul3A_327 : f32 to vector<256x32xf32>
      %mul3A_329 = arith.mulf %dot_general3A_326, %mul3A_328 : vector<256x32xf32>
      %swap3A_330 = arith.constant 1024 : index
      %swap3A_331 = arith.constant 0 : index
      %swap3A_332 = vector.load %arg19[%swap3A_330, %swap3A_331] : memref<1536x32xf32, #tpu.memory_space<vmem>>, vector<256x32xf32>
      tpu.vector_store %arg19[%swap3A_330, %swap3A_331], %mul3A_329 {strides = array<i32>} : memref<1536x32xf32, #tpu.memory_space<vmem>>, vector<256x32xf32>,
      %get3A_333 = arith.constant 5 : index
      %get3A_334 = arith.constant 0 : index
      %get3A_335 = arith.constant 0 : index
      %get3A_336 = vector.load %arg11[%get3A_333, %get3A_334, %get3A_335] : memref<6x256x32xf32, #tpu.memory_space<vmem>>, vector<1x256x32xf32>
      %get3A_337 = vector.shape_cast %get3A_336 : vector<1x256x32xf32> to vector<256x32xf32>
      %dot_general3A_338 = arith.constant dense<0.000000e+00> : vector<256x32xf32>
      %dot_general3A_339 = tpu.matmul %get3A_337, %add3A_267, %dot_general3A_338 {dimension_numbers = #tpu.dot_dimension_numbers<[1], [1], [0], [0], [0, 0, 1, 0], [], []>, transpose_lhs_hint = false} : vector<256x32xf32>, vector<32x32xf32>, vector<256x32xf32> -> vector<256x32xf32>
      %mul3A_340 = arith.constant 0.166666672 : f32
      %mul3A_341 = vector.broadcast %mul3A_340 : f32 to vector<256x32xf32>
      %mul3A_342 = arith.mulf %dot_general3A_339, %mul3A_341 : vector<256x32xf32>
      %swap3A_343 = arith.constant 1280 : index
      %swap3A_344 = arith.constant 0 : index
      %swap3A_345 = vector.load %arg19[%swap3A_343, %swap3A_344] : memref<1536x32xf32, #tpu.memory_space<vmem>>, vector<256x32xf32>
      tpu.vector_store %arg19[%swap3A_343, %swap3A_344], %mul3A_342 {strides = array<i32>} : memref<1536x32xf32, #tpu.memory_space<vmem>>, vector<256x32xf32>,
    } else {
    }
    %get3A = arith.constant 0 : index
    %get3A_2 = arith.constant 0 : index
    %get3A_3 = arith.constant 0 : index
    %get3A_4 = vector.load %arg1[%get3A, %get3A_2, %get3A_3] : memref<1x1x512xi32, #tpu.memory_space<vmem>>, vector<1x1x512xi32>
    %get3A_5 = vector.shape_cast %get3A_4 : vector<1x1x512xi32> to vector<512xi32>
    %broadcast_in_dim3A = vector.shape_cast %get3A_5 : vector<512xi32> to vector<512x1xi32>
    %iota3A = tpu.iota {dimensions = array<i32: 1>} : vector<512x4xi32>
    %eq3A_6 = vector.broadcast %broadcast_in_dim3A : vector<512x1xi32> to vector<512x4xi32>
    %eq3A_7 = arith.cmpi eq, %eq3A_6, %iota3A : vector<512x4xi32>
    %convert_element_type3A_8 = arith.extui %eq3A_7 : vector<512x4xi1> to vector<512x4xi32>
    %convert_element_type3A_9 = arith.sitofp %convert_element_type3A_8 : vector<512x4xi32> to vector<512x4xf32>
    %get3A_10 = arith.constant 0 : index
    %get3A_11 = arith.constant 0 : index
    %get3A_12 = vector.load %arg5[%get3A_10, %get3A_11] : memref<4x16xf32, #tpu.memory_space<vmem>>, vector<4x16xf32>
    %dot_general3A = arith.constant dense<0.000000e+00> : vector<512x16xf32>
    %dot_general3A_13 = tpu.matmul %convert_element_type3A_9, %get3A_12, %dot_general3A {dimension_numbers = #tpu.dot_dimension_numbers<[1], [0], [0], [1], [0, 0, 1, 1], [], []>, transpose_lhs_hint = false} : vector<512x4xf32>, vector<4x16xf32>, vector<512x16xf32> -> vector<512x16xf32>
    %swap3A = arith.constant 0 : index
    %swap3A_14 = arith.constant 0 : index
    %swap3A_15 = vector.load %arg14[%swap3A, %swap3A_14] : memref<512x16xf32, #tpu.memory_space<vmem>>, vector<512x16xf32>
    tpu.vector_store %arg14[%swap3A, %swap3A_14], %dot_general3A_13 {strides = array<i32>} : memref<512x16xf32, #tpu.memory_space<vmem>>, vector<512x16xf32>,
    %get3A_16 = arith.constant 0 : index
    %get3A_17 = arith.constant 0 : index
    %get3A_18 = arith.constant 0 : index
    %get3A_19 = vector.load %arg2[%get3A_16, %get3A_17, %get3A_18] : memref<1x1x512xf32, #tpu.memory_space<vmem>>, vector<1x1x512xf32>
    %get3A_20 = vector.shape_cast %get3A_19 : vector<1x1x512xf32> to vector<512xf32>
    %broadcast_in_dim3A_21 = vector.shape_cast %get3A_20 : vector<512xf32> to vector<512x1xf32>
    %get3A_22 = arith.constant 0 : index
    %get3A_23 = arith.constant 0 : index
    %get3A_24 = vector.load %arg6[%get3A_22, %get3A_23] : memref<1x16xf32, #tpu.memory_space<vmem>>, vector<1x16xf32>
    %get3A_25 = vector.shape_cast %get3A_24 : vector<1x16xf32> to vector<16xf32>
    %broadcast_in_dim3A_26 = vector.shape_cast %get3A_25 : vector<16xf32> to vector<1x16xf32>
    %mul3A = vector.broadcast %broadcast_in_dim3A_21 : vector<512x1xf32> to vector<512x16xf32>
    %mul3A_27 = vector.broadcast %broadcast_in_dim3A_26 : vector<1x16xf32> to vector<512x16xf32>
    %mul3A_28 = arith.mulf %mul3A, %mul3A_27 : vector<512x16xf32>
    %get3A_29 = arith.constant 0 : index
    %get3A_30 = arith.constant 0 : index
    %get3A_31 = vector.load %arg7[%get3A_29, %get3A_30] : memref<1x16xf32, #tpu.memory_space<vmem>>, vector<1x16xf32>
    %get3A_32 = vector.shape_cast %get3A_31 : vector<1x16xf32> to vector<16xf32>
    %broadcast_in_dim3A_33 = vector.shape_cast %get3A_32 : vector<16xf32> to vector<1x16xf32>
    %add3A = vector.broadcast %broadcast_in_dim3A_33 : vector<1x16xf32> to vector<512x16xf32>
    %add3A_34 = arith.addf %mul3A_28, %add3A : vector<512x16xf32>
    %swap3A_35 = arith.constant 0 : index
    %swap3A_36 = arith.constant 0 : index
    %swap3A_37 = vector.load %arg15[%swap3A_35, %swap3A_36] : memref<512x16xf32, #tpu.memory_space<vmem>>, vector<512x16xf32>
    tpu.vector_store %arg15[%swap3A_35, %swap3A_36], %add3A_34 {strides = array<i32>} : memref<512x16xf32, #tpu.memory_space<vmem>>, vector<512x16xf32>,
    %iota3A_38 = tpu.iota {dimensions = array<i32: 1>} : vector<512x256xi32>
    %get3A_39 = arith.constant 0 : index
    %get3A_40 = arith.constant 0 : index
    %get3A_41 = arith.constant 0 : index
    %get3A_42 = vector.load %arg3[%get3A_39, %get3A_40, %get3A_41] : memref<1x512x4xi32, #tpu.memory_space<vmem>>, vector<1x512x4xi32>
    %get3A_43 = vector.shape_cast %get3A_42 : vector<1x512x4xi32> to vector<512x4xi32>
    %get3A_44 = arith.constant 0 : index
    %get3A_45 = arith.constant 0 : index
    %get3A_46 = vector.load %arg10[%get3A_44, %get3A_45] : memref<1x32xf32, #tpu.memory_space<vmem>>, vector<1x32xf32>
    %get3A_47 = vector.shape_cast %get3A_46 : vector<1x32xf32> to vector<32xf32>
    %broadcast_in_dim3A_48 = vector.shape_cast %get3A_47 : vector<32xf32> to vector<1x32xf32>
    %broadcast_in_dim3A_49 = vector.shape_cast %broadcast_in_dim3A_48 : vector<1x32xf32> to vector<1x32xf32>
    %broadcast_in_dim3A_50 = vector.broadcast %broadcast_in_dim3A_49 : vector<1x32xf32> to vector<512x32xf32>
    %slice3A = vector.extract_strided_slice %get3A_43 {offsets = [0, 0], sizes = [512, 1], strides = [1, 1]} : vector<512x4xi32> to vector<512x1xi32>
    %eq3A_51 = vector.broadcast %slice3A : vector<512x1xi32> to vector<512x256xi32>
    %eq3A_52 = arith.cmpi eq, %eq3A_51, %iota3A_38 : vector<512x256xi32>
    %convert_element_type3A_53 = arith.extui %eq3A_52 : vector<512x256xi1> to vector<512x256xi32>
    %convert_element_type3A_54 = arith.sitofp %convert_element_type3A_53 : vector<512x256xi32> to vector<512x256xf32>
    %get3A_55 = arith.constant 0 : index
    %get3A_56 = arith.constant 0 : index
    %get3A_57 = vector.load %arg18[%get3A_55, %get3A_56] : memref<1024x32xf32, #tpu.memory_space<vmem>>, vector<256x32xf32>
    %dot_general3A_58 = arith.constant dense<0.000000e+00> : vector<512x32xf32>
    %dot_general3A_59 = tpu.matmul %convert_element_type3A_54, %get3A_57, %dot_general3A_58 {dimension_numbers = #tpu.dot_dimension_numbers<[1], [0], [0], [1], [0, 0, 1, 1], [], []>, transpose_lhs_hint = false} : vector<512x256xf32>, vector<256x32xf32>, vector<512x32xf32> -> vector<512x32xf32>
    %add3A_60 = arith.addf %broadcast_in_dim3A_50, %dot_general3A_59 : vector<512x32xf32>
    %slice3A_61 = vector.extract_strided_slice %get3A_43 {offsets = [0, 1], sizes = [512, 1], strides = [1, 1]} : vector<512x4xi32> to vector<512x1xi32>
    %eq3A_62 = vector.broadcast %slice3A_61 : vector<512x1xi32> to vector<512x256xi32>
    %eq3A_63 = arith.cmpi eq, %eq3A_62, %iota3A_38 : vector<512x256xi32>
    %convert_element_type3A_64 = arith.extui %eq3A_63 : vector<512x256xi1> to vector<512x256xi32>
    %convert_element_type3A_65 = arith.sitofp %convert_element_type3A_64 : vector<512x256xi32> to vector<512x256xf32>
    %get3A_66 = arith.constant 256 : index
    %get3A_67 = arith.constant 0 : index
    %get3A_68 = vector.load %arg18[%get3A_66, %get3A_67] : memref<1024x32xf32, #tpu.memory_space<vmem>>, vector<256x32xf32>
    %dot_general3A_69 = arith.constant dense<0.000000e+00> : vector<512x32xf32>
    %dot_general3A_70 = tpu.matmul %convert_element_type3A_65, %get3A_68, %dot_general3A_69 {dimension_numbers = #tpu.dot_dimension_numbers<[1], [0], [0], [1], [0, 0, 1, 1], [], []>, transpose_lhs_hint = false} : vector<512x256xf32>, vector<256x32xf32>, vector<512x32xf32> -> vector<512x32xf32>
    %add3A_71 = arith.addf %add3A_60, %dot_general3A_70 : vector<512x32xf32>
    %slice3A_72 = vector.extract_strided_slice %get3A_43 {offsets = [0, 2], sizes = [512, 1], strides = [1, 1]} : vector<512x4xi32> to vector<512x1xi32>
    %eq3A_73 = vector.broadcast %slice3A_72 : vector<512x1xi32> to vector<512x256xi32>
    %eq3A_74 = arith.cmpi eq, %eq3A_73, %iota3A_38 : vector<512x256xi32>
    %convert_element_type3A_75 = arith.extui %eq3A_74 : vector<512x256xi1> to vector<512x256xi32>
    %convert_element_type3A_76 = arith.sitofp %convert_element_type3A_75 : vector<512x256xi32> to vector<512x256xf32>
    %get3A_77 = arith.constant 512 : index
    %get3A_78 = arith.constant 0 : index
    %get3A_79 = vector.load %arg18[%get3A_77, %get3A_78] : memref<1024x32xf32, #tpu.memory_space<vmem>>, vector<256x32xf32>
    %dot_general3A_80 = arith.constant dense<0.000000e+00> : vector<512x32xf32>
    %dot_general3A_81 = tpu.matmul %convert_element_type3A_76, %get3A_79, %dot_general3A_80 {dimension_numbers = #tpu.dot_dimension_numbers<[1], [0], [0], [1], [0, 0, 1, 1], [], []>, transpose_lhs_hint = false} : vector<512x256xf32>, vector<256x32xf32>, vector<512x32xf32> -> vector<512x32xf32>
    %add3A_82 = arith.addf %add3A_71, %dot_general3A_81 : vector<512x32xf32>
    %slice3A_83 = vector.extract_strided_slice %get3A_43 {offsets = [0, 3], sizes = [512, 1], strides = [1, 1]} : vector<512x4xi32> to vector<512x1xi32>
    %eq3A_84 = vector.broadcast %slice3A_83 : vector<512x1xi32> to vector<512x256xi32>
    %eq3A_85 = arith.cmpi eq, %eq3A_84, %iota3A_38 : vector<512x256xi32>
    %convert_element_type3A_86 = arith.extui %eq3A_85 : vector<512x256xi1> to vector<512x256xi32>
    %convert_element_type3A_87 = arith.sitofp %convert_element_type3A_86 : vector<512x256xi32> to vector<512x256xf32>
    %get3A_88 = arith.constant 768 : index
    %get3A_89 = arith.constant 0 : index
    %get3A_90 = vector.load %arg18[%get3A_88, %get3A_89] : memref<1024x32xf32, #tpu.memory_space<vmem>>, vector<256x32xf32>
    %dot_general3A_91 = arith.constant dense<0.000000e+00> : vector<512x32xf32>
    %dot_general3A_92 = tpu.matmul %convert_element_type3A_87, %get3A_90, %dot_general3A_91 {dimension_numbers = #tpu.dot_dimension_numbers<[1], [0], [0], [1], [0, 0, 1, 1], [], []>, transpose_lhs_hint = false} : vector<512x256xf32>, vector<256x32xf32>, vector<512x32xf32> -> vector<512x32xf32>
    %add3A_93 = arith.addf %add3A_82, %dot_general3A_92 : vector<512x32xf32>
    %swap3A_94 = arith.constant 0 : index
    %swap3A_95 = arith.constant 0 : index
    %swap3A_96 = vector.load %arg16[%swap3A_94, %swap3A_95] : memref<512x32xf32, #tpu.memory_space<vmem>>, vector<512x32xf32>
    tpu.vector_store %arg16[%swap3A_94, %swap3A_95], %add3A_93 {strides = array<i32>} : memref<512x32xf32, #tpu.memory_space<vmem>>, vector<512x32xf32>,
    %get3A_97 = arith.constant 0 : index
    %get3A_98 = arith.constant 0 : index
    %get3A_99 = arith.constant 0 : index
    %get3A_100 = vector.load %arg4[%get3A_97, %get3A_98, %get3A_99] : memref<1x512x6xi32, #tpu.memory_space<vmem>>, vector<1x512x6xi32>
    %get3A_101 = vector.shape_cast %get3A_100 : vector<1x512x6xi32> to vector<512x6xi32>
    %get3A_102 = arith.constant 0 : index
    %get3A_103 = arith.constant 0 : index
    %get3A_104 = vector.load %arg13[%get3A_102, %get3A_103] : memref<1x32xf32, #tpu.memory_space<vmem>>, vector<1x32xf32>
    %get3A_105 = vector.shape_cast %get3A_104 : vector<1x32xf32> to vector<32xf32>
    %broadcast_in_dim3A_106 = vector.shape_cast %get3A_105 : vector<32xf32> to vector<1x32xf32>
    %broadcast_in_dim3A_107 = vector.shape_cast %broadcast_in_dim3A_106 : vector<1x32xf32> to vector<1x32xf32>
    %broadcast_in_dim3A_108 = vector.broadcast %broadcast_in_dim3A_107 : vector<1x32xf32> to vector<512x32xf32>
    %slice3A_109 = vector.extract_strided_slice %get3A_101 {offsets = [0, 0], sizes = [512, 1], strides = [1, 1]} : vector<512x6xi32> to vector<512x1xi32>
    %eq3A_110 = vector.broadcast %slice3A_109 : vector<512x1xi32> to vector<512x256xi32>
    %eq3A_111 = arith.cmpi eq, %eq3A_110, %iota3A_38 : vector<512x256xi32>
    %convert_element_type3A_112 = arith.extui %eq3A_111 : vector<512x256xi1> to vector<512x256xi32>
    %convert_element_type3A_113 = arith.sitofp %convert_element_type3A_112 : vector<512x256xi32> to vector<512x256xf32>
    %get3A_114 = arith.constant 0 : index
    %get3A_115 = arith.constant 0 : index
    %get3A_116 = vector.load %arg19[%get3A_114, %get3A_115] : memref<1536x32xf32, #tpu.memory_space<vmem>>, vector<256x32xf32>
    %dot_general3A_117 = arith.constant dense<0.000000e+00> : vector<512x32xf32>
    %dot_general3A_118 = tpu.matmul %convert_element_type3A_113, %get3A_116, %dot_general3A_117 {dimension_numbers = #tpu.dot_dimension_numbers<[1], [0], [0], [1], [0, 0, 1, 1], [], []>, transpose_lhs_hint = false} : vector<512x256xf32>, vector<256x32xf32>, vector<512x32xf32> -> vector<512x32xf32>
    %add3A_119 = arith.addf %broadcast_in_dim3A_108, %dot_general3A_118 : vector<512x32xf32>
    %slice3A_120 = vector.extract_strided_slice %get3A_101 {offsets = [0, 1], sizes = [512, 1], strides = [1, 1]} : vector<512x6xi32> to vector<512x1xi32>
    %eq3A_121 = vector.broadcast %slice3A_120 : vector<512x1xi32> to vector<512x256xi32>
    %eq3A_122 = arith.cmpi eq, %eq3A_121, %iota3A_38 : vector<512x256xi32>
    %convert_element_type3A_123 = arith.extui %eq3A_122 : vector<512x256xi1> to vector<512x256xi32>
    %convert_element_type3A_124 = arith.sitofp %convert_element_type3A_123 : vector<512x256xi32> to vector<512x256xf32>
    %get3A_125 = arith.constant 256 : index
    %get3A_126 = arith.constant 0 : index
    %get3A_127 = vector.load %arg19[%get3A_125, %get3A_126] : memref<1536x32xf32, #tpu.memory_space<vmem>>, vector<256x32xf32>
    %dot_general3A_128 = arith.constant dense<0.000000e+00> : vector<512x32xf32>
    %dot_general3A_129 = tpu.matmul %convert_element_type3A_124, %get3A_127, %dot_general3A_128 {dimension_numbers = #tpu.dot_dimension_numbers<[1], [0], [0], [1], [0, 0, 1, 1], [], []>, transpose_lhs_hint = false} : vector<512x256xf32>, vector<256x32xf32>, vector<512x32xf32> -> vector<512x32xf32>
    %add3A_130 = arith.addf %add3A_119, %dot_general3A_129 : vector<512x32xf32>
    %slice3A_131 = vector.extract_strided_slice %get3A_101 {offsets = [0, 2], sizes = [512, 1], strides = [1, 1]} : vector<512x6xi32> to vector<512x1xi32>
    %eq3A_132 = vector.broadcast %slice3A_131 : vector<512x1xi32> to vector<512x256xi32>
    %eq3A_133 = arith.cmpi eq, %eq3A_132, %iota3A_38 : vector<512x256xi32>
    %convert_element_type3A_134 = arith.extui %eq3A_133 : vector<512x256xi1> to vector<512x256xi32>
    %convert_element_type3A_135 = arith.sitofp %convert_element_type3A_134 : vector<512x256xi32> to vector<512x256xf32>
    %get3A_136 = arith.constant 512 : index
    %get3A_137 = arith.constant 0 : index
    %get3A_138 = vector.load %arg19[%get3A_136, %get3A_137] : memref<1536x32xf32, #tpu.memory_space<vmem>>, vector<256x32xf32>
    %dot_general3A_139 = arith.constant dense<0.000000e+00> : vector<512x32xf32>
    %dot_general3A_140 = tpu.matmul %convert_element_type3A_135, %get3A_138, %dot_general3A_139 {dimension_numbers = #tpu.dot_dimension_numbers<[1], [0], [0], [1], [0, 0, 1, 1], [], []>, transpose_lhs_hint = false} : vector<512x256xf32>, vector<256x32xf32>, vector<512x32xf32> -> vector<512x32xf32>
    %add3A_141 = arith.addf %add3A_130, %dot_general3A_140 : vector<512x32xf32>
    %slice3A_142 = vector.extract_strided_slice %get3A_101 {offsets = [0, 3], sizes = [512, 1], strides = [1, 1]} : vector<512x6xi32> to vector<512x1xi32>
    %eq3A_143 = vector.broadcast %slice3A_142 : vector<512x1xi32> to vector<512x256xi32>
    %eq3A_144 = arith.cmpi eq, %eq3A_143, %iota3A_38 : vector<512x256xi32>
    %convert_element_type3A_145 = arith.extui %eq3A_144 : vector<512x256xi1> to vector<512x256xi32>
    %convert_element_type3A_146 = arith.sitofp %convert_element_type3A_145 : vector<512x256xi32> to vector<512x256xf32>
    %get3A_147 = arith.constant 768 : index
    %get3A_148 = arith.constant 0 : index
    %get3A_149 = vector.load %arg19[%get3A_147, %get3A_148] : memref<1536x32xf32, #tpu.memory_space<vmem>>, vector<256x32xf32>
    %dot_general3A_150 = arith.constant dense<0.000000e+00> : vector<512x32xf32>
    %dot_general3A_151 = tpu.matmul %convert_element_type3A_146, %get3A_149, %dot_general3A_150 {dimension_numbers = #tpu.dot_dimension_numbers<[1], [0], [0], [1], [0, 0, 1, 1], [], []>, transpose_lhs_hint = false} : vector<512x256xf32>, vector<256x32xf32>, vector<512x32xf32> -> vector<512x32xf32>
    %add3A_152 = arith.addf %add3A_141, %dot_general3A_151 : vector<512x32xf32>
    %slice3A_153 = vector.extract_strided_slice %get3A_101 {offsets = [0, 4], sizes = [512, 1], strides = [1, 1]} : vector<512x6xi32> to vector<512x1xi32>
    %eq3A_154 = vector.broadcast %slice3A_153 : vector<512x1xi32> to vector<512x256xi32>
    %eq3A_155 = arith.cmpi eq, %eq3A_154, %iota3A_38 : vector<512x256xi32>
    %convert_element_type3A_156 = arith.extui %eq3A_155 : vector<512x256xi1> to vector<512x256xi32>
    %convert_element_type3A_157 = arith.sitofp %convert_element_type3A_156 : vector<512x256xi32> to vector<512x256xf32>
    %get3A_158 = arith.constant 1024 : index
    %get3A_159 = arith.constant 0 : index
    %get3A_160 = vector.load %arg19[%get3A_158, %get3A_159] : memref<1536x32xf32, #tpu.memory_space<vmem>>, vector<256x32xf32>
    %dot_general3A_161 = arith.constant dense<0.000000e+00> : vector<512x32xf32>
    %dot_general3A_162 = tpu.matmul %convert_element_type3A_157, %get3A_160, %dot_general3A_161 {dimension_numbers = #tpu.dot_dimension_numbers<[1], [0], [0], [1], [0, 0, 1, 1], [], []>, transpose_lhs_hint = false} : vector<512x256xf32>, vector<256x32xf32>, vector<512x32xf32> -> vector<512x32xf32>
    %add3A_163 = arith.addf %add3A_152, %dot_general3A_162 : vector<512x32xf32>
    %slice3A_164 = vector.extract_strided_slice %get3A_101 {offsets = [0, 5], sizes = [512, 1], strides = [1, 1]} : vector<512x6xi32> to vector<512x1xi32>
    %eq3A_165 = vector.broadcast %slice3A_164 : vector<512x1xi32> to vector<512x256xi32>
    %eq3A_166 = arith.cmpi eq, %eq3A_165, %iota3A_38 : vector<512x256xi32>
    %convert_element_type3A_167 = arith.extui %eq3A_166 : vector<512x256xi1> to vector<512x256xi32>
    %convert_element_type3A_168 = arith.sitofp %convert_element_type3A_167 : vector<512x256xi32> to vector<512x256xf32>
    %get3A_169 = arith.constant 1280 : index
    %get3A_170 = arith.constant 0 : index
    %get3A_171 = vector.load %arg19[%get3A_169, %get3A_170] : memref<1536x32xf32, #tpu.memory_space<vmem>>, vector<256x32xf32>
    %dot_general3A_172 = arith.constant dense<0.000000e+00> : vector<512x32xf32>
    %dot_general3A_173 = tpu.matmul %convert_element_type3A_168, %get3A_171, %dot_general3A_172 {dimension_numbers = #tpu.dot_dimension_numbers<[1], [0], [0], [1], [0, 0, 1, 1], [], []>, transpose_lhs_hint = false} : vector<512x256xf32>, vector<256x32xf32>, vector<512x32xf32> -> vector<512x32xf32>
    %add3A_174 = arith.addf %add3A_163, %dot_general3A_173 : vector<512x32xf32>
    %swap3A_175 = arith.constant 0 : index
    %swap3A_176 = arith.constant 0 : index
    %swap3A_177 = vector.load %arg17[%swap3A_175, %swap3A_176] : memref<512x32xf32, #tpu.memory_space<vmem>>, vector<512x32xf32>
    tpu.vector_store %arg17[%swap3A_175, %swap3A_176], %add3A_174 {strides = array<i32>} : memref<512x32xf32, #tpu.memory_space<vmem>>, vector<512x32xf32>,
    return
  }
  func.func @transform_0(%arg0: i32) -> (i32, i32, i32) {
    %c0_i32 = arith.constant 0 : i32
    %c0_i32_0 = arith.constant 0 : i32
    %c0_i32_1 = arith.constant 0 : i32
    return %arg0, %c0_i32, %c0_i32_0 : i32, i32, i32
  }
  func.func @transform_1(%arg0: i32) -> (i32, i32, i32) {
    %c0_i32 = arith.constant 0 : i32
    %c0_i32_0 = arith.constant 0 : i32
    %c0_i32_1 = arith.constant 0 : i32
    return %arg0, %c0_i32, %c0_i32_0 : i32, i32, i32
  }
  func.func @transform_2(%arg0: i32) -> (i32, i32, i32) {
    %c0_i32 = arith.constant 0 : i32
    %c0_i32_0 = arith.constant 0 : i32
    %c0_i32_1 = arith.constant 0 : i32
    return %arg0, %c0_i32, %c0_i32_0 : i32, i32, i32
  }
  func.func @transform_3(%arg0: i32) -> (i32, i32, i32) {
    %c0_i32 = arith.constant 0 : i32
    %c0_i32_0 = arith.constant 0 : i32
    %c0_i32_1 = arith.constant 0 : i32
    return %arg0, %c0_i32, %c0_i32_0 : i32, i32, i32
  }
  func.func @transform_4(%arg0: i32) -> (i32, i32) {
    %c0_i32 = arith.constant 0 : i32
    %c0_i32_0 = arith.constant 0 : i32
    %c0_i32_1 = arith.constant 0 : i32
    return %c0_i32, %c0_i32_0 : i32, i32
  }
  func.func @transform_5(%arg0: i32) -> (i32, i32) {
    %c0_i32 = arith.constant 0 : i32
    %c0_i32_0 = arith.constant 0 : i32
    %c0_i32_1 = arith.constant 0 : i32
    return %c0_i32, %c0_i32_0 : i32, i32
  }
  func.func @transform_6(%arg0: i32) -> (i32, i32) {
    %c0_i32 = arith.constant 0 : i32
    %c0_i32_0 = arith.constant 0 : i32
    %c0_i32_1 = arith.constant 0 : i32
    return %c0_i32, %c0_i32_0 : i32, i32
  }
  func.func @transform_7(%arg0: i32) -> (i32, i32, i32) {
    %c0_i32 = arith.constant 0 : i32
    %c0_i32_0 = arith.constant 0 : i32
    %c0_i32_1 = arith.constant 0 : i32
    %c0_i32_2 = arith.constant 0 : i32
    return %c0_i32, %c0_i32_0, %c0_i32_1 : i32, i32, i32
  }
  func.func @transform_8(%arg0: i32) -> (i32, i32, i32) {
    %c0_i32 = arith.constant 0 : i32
    %c0_i32_0 = arith.constant 0 : i32
    %c0_i32_1 = arith.constant 0 : i32
    %c0_i32_2 = arith.constant 0 : i32
    return %c0_i32, %c0_i32_0, %c0_i32_1 : i32, i32, i32
  }
  func.func @transform_9(%arg0: i32) -> (i32, i32) {
    %c0_i32 = arith.constant 0 : i32
    %c0_i32_0 = arith.constant 0 : i32
    %c0_i32_1 = arith.constant 0 : i32
    return %c0_i32, %c0_i32_0 : i32, i32
  }
  func.func @transform_10(%arg0: i32) -> (i32, i32, i32) {
    %c0_i32 = arith.constant 0 : i32
    %c0_i32_0 = arith.constant 0 : i32
    %c0_i32_1 = arith.constant 0 : i32
    %c0_i32_2 = arith.constant 0 : i32
    return %c0_i32, %c0_i32_0, %c0_i32_1 : i32, i32, i32
  }
  func.func @transform_11(%arg0: i32) -> (i32, i32, i32) {
    %c0_i32 = arith.constant 0 : i32
    %c0_i32_0 = arith.constant 0 : i32
    %c0_i32_1 = arith.constant 0 : i32
    %c0_i32_2 = arith.constant 0 : i32
    return %c0_i32, %c0_i32_0, %c0_i32_1 : i32, i32, i32
  }
  func.func @transform_12(%arg0: i32) -> (i32, i32) {
    %c0_i32 = arith.constant 0 : i32
    %c0_i32_0 = arith.constant 0 : i32
    %c0_i32_1 = arith.constant 0 : i32
    return %c0_i32, %c0_i32_0 : i32, i32
  }
  func.func @transform_13(%arg0: i32) -> (i32, i32) {
    %c0_i32 = arith.constant 0 : i32
    %c0_i32_0 = arith.constant 0 : i32
    return %arg0, %c0_i32 : i32, i32
  }
  func.func @transform_14(%arg0: i32) -> (i32, i32) {
    %c0_i32 = arith.constant 0 : i32
    %c0_i32_0 = arith.constant 0 : i32
    return %arg0, %c0_i32 : i32, i32
  }
  func.func @transform_15(%arg0: i32) -> (i32, i32) {
    %c0_i32 = arith.constant 0 : i32
    %c0_i32_0 = arith.constant 0 : i32
    return %arg0, %c0_i32 : i32, i32
  }
  func.func @transform_16(%arg0: i32) -> (i32, i32) {
    %c0_i32 = arith.constant 0 : i32
    %c0_i32_0 = arith.constant 0 : i32
    return %arg0, %c0_i32 : i32, i32
  }
}

</mosaic_0001>

<sc_bundles>
// kernel: kernel.5.cloned.1.call-start
scs
__scs_entry_jumppad:
0x0: {  	(pc) =	sbr.rel $0x88, $3  }
0x1: {  	(tag) =	ssettag $0x0;
	lr =	simm.s32 $0x1  }
0x2: {  	[smem:$0x3F92] =	sst lr;
	_ =	strace $0xD0000000  }
0x3: {  	_ = 	snop  }
0x4: {  	_ = 	snop  }
0x5: {  	_ = 	snop  }
0x6: {  	_ = 	snop  }
0x7: {  	_ = 	snop  }
__scs_overlays_trampoline_lowered:
0x8: {  	[smem:$0x3FA1] =	sst s0  }
0x9: {  	[smem:$0x3FA2] =	sst s1  }
0xa: {  	[smem:$0x3FA3] =	sst s2  }
0xb: {  	[smem:$0x3FA4] =	sst s3  }
0xc: {  	[smem:$0x3FA5] =	sst s4  }
0xd: {  	[smem:$0x3FA6] =	sst s5  }
0xe: {  	[smem:$0x3FA7] =	sst s6  }
0xf: {  	[smem:$0x3FA8] =	sst s7  }
0x10: {  	[smem:$0x3FA9] =	sst s8  }
0x11: {  	[smem:$0x3FAA] =	sst s9;
	s0 =	simm.s32 @!p0 $0x0  }
0x12: {  	s1 =	sld [smem:$0x3F90];
	s0 =	simm.s32 @p0 $0x1  }
0x13: {  	[smem:$0x3FAB] =	sst s0;
	s0 =	simm.s32 @!p1 $0x0  }
0x14: {  	s2 =	sld [smem:$0x3F8F];
	s0 =	simm.s32 @p1 $0x1  }
0x15: {  	[smem:$0x3FAC] =	sst s0;
	s0 =	simm.s32 @!p2 $0x0  }
0x16: {  	s3 =	sld [smem:$0x3FDB];
	s0 =	simm.s32 @p2 $0x1  }
0x17: {  	s4 =	simm.s32 $0x1BF5;
	[smem:$0x3FAE] =	sst s0  }
0x18: {  	s0 =	sld [smem:$0x3F91];
	_ =	swait.ge [sflag:s4], $0x0  }
0x19: {  	s7 =	sld [smem:$0x3F92]  }
0x1a: {  	s8 =	sadd.s32 $0xFFFFE003, lr  }
0x1b: {  	s9 =	sadd.s32 $0xFFFFFEF7, lr;
	s5 =	simm.s32 $0xFFFFFFFF;
	p2 =	slt.u32 s8, $0xFFFFF086  }
0x1c: {  	p1 =	slt.u32 s9, $0xF7A;
	s5 =	simm.s32 @!p2 $0x0  }
0x1d: {  	s5 =	simm.s32 @p1 $0x1;
	p0 =	seq.s32 s7, s2  }
0x1e: {  	s7 =	smul.u32 @!p0 $0xF7A, s2;
	p2 =	seq.s32 @!p0 s5, $0x0  }
0x1f: {  	s9 =	smul.u32 $0xF7A, s1;
	s8 =	simm.s32 @!p0 $0x1BF5;
	p2 =	por !p2, p0  }
0x20: {  	[sflag:s8] =	ssyncset.s32 @!p0 $0xFFFFF086;
	s6 =	sadd.s32 @!p0 s3, s7;
	s7 =	simm.s32 @!p0 $0x108  }
0x21: {  	s3 =	sadd.s32 s3, s9;
	s6 =	sadd.s32 @!p0 $0x88, s6;
	s7 =	simm.s32 @p2 $0x1082  }
0x22: {  	[simem:s7], [sflag:s8] =	dma.local @!p0 [hbm:s6], $0xF7A  }
0x23: {  	s9 =	sor.u32 $0xD0000000, s2;
	s6 =	simm.s32 $0x108;
	_ =	swait.ge @!p0 [sflag:s8], $0x0  }
0x24: {  	s3 =	sadd.s32 $0x88, s3;
	s6 =	simm.s32 @!p1 $0x1082;
	[sflag:s4] =	ssyncset.s32 $0xFFFFF086  }
0x25: {  	[simem:s6], [sflag:s4] =	dma.local [hbm:s3], $0xF7A  }
0x26: {  	[smem:$0x3F92] =	sst s1;
	(tag) =	ssettag s2;
	_ =	strace s9  }
0x27: {  	s1 =	sld [smem:$0x3FA2]  }
0x28: {  	s2 =	sld [smem:$0x3FA3]  }
0x29: {  	s4 =	sld [smem:$0x3FA5]  }
0x2a: {  	p0 =	seq.s32 s5, $0x0;
	s5 =	sld [smem:$0x3FA6]  }
0x2b: {  	s6 =	sld [smem:$0x3FA7]  }
0x2c: {  	s7 =	sld [smem:$0x3FA8]  }
0x2d: {  	s3 =	simm.s32 $0x108;
	s8 =	sld [smem:$0x3FA9]  }
0x2e: {  	s3 =	simm.s32 @!p0 $0x1082;
	s9 =	sld [smem:$0x3FAA]  }
0x2f: {  	lr =	sadd.s32 s0, s3;
	s0 =	sld [smem:$0x3FA1]  }
0x30: {  	s3 =	sld [smem:$0x3FA4]  }
0x31: {  	[smem:$0x3FAD] =	sst s10  }
0x32: {  	s10 =	sld [smem:$0x3FAB];
	_ =	sdelay $0x3  }
0x33: {  	p0 =	seq.s32 s10, $0x1;
	s10 =	sld [smem:$0x3FAD];
	_ =	sdelay $0x3  }
0x34: {  	[smem:$0x3FAD] =	sst s10  }
0x35: {  	s10 =	sld [smem:$0x3FAC];
	_ =	sdelay $0x3  }
0x36: {  	p1 =	seq.s32 s10, $0x1;
	s10 =	sld [smem:$0x3FAD];
	_ =	sdelay $0x3  }
0x37: {  	[smem:$0x3FAD] =	sst s10  }
0x38: {  	s10 =	sld [smem:$0x3FAE]  }
0x39: {  	_ = 	snop;
	(pc) =	sbr.ind lr, $3  }
0x3a: {  	_ = 	snop  }
0x3b: {  	_ = 	snop  }
0x3c: {  	p2 =	seq.s32 s10, $0x1;
	s10 =	sld [smem:$0x3FAD]  }
0x3d: {  	_ =	shalt  }
0x3e: {  	_ =	shalt  }
0x3f: {  	_ =	shalt  }
0x40: {  	_ =	shalt  }
0x41: {  	_ =	shalt  }
0x42: {  	_ =	shalt  }
0x43: {  	_ =	shalt  }
0x44: {  	_ =	shalt  }
0x45: {  	_ =	shalt  }
0x46: {  	_ =	shalt  }
0x47: {  	_ =	shalt  }
0x48: {  	_ =	shalt  }
0x49: {  	_ =	shalt  }
0x4a: {  	_ =	shalt  }
0x4b: {  	_ =	shalt  }
0x4c: {  	_ =	shalt  }
0x4d: {  	_ =	shalt  }
0x4e: {  	_ =	shalt  }
0x4f: {  	_ =	shalt  }
0x50: {  	_ =	shalt  }
0x51: {  	_ =	shalt  }
0x52: {  	_ =	shalt  }
0x53: {  	_ =	shalt  }
0x54: {  	_ =	shalt  }
0x55: {  	_ =	shalt  }
0x56: {  	_ =	shalt  }
0x57: {  	_ =	shalt  }
0x58: {  	_ =	shalt  }
0x59: {  	_ =	shalt  }
0x5a: {  	_ =	shalt  }
0x5b: {  	_ =	shalt  }
0x5c: {  	_ =	shalt  }
0x5d: {  	_ =	shalt  }
0x5e: {  	_ =	shalt  }
0x5f: {  	_ =	shalt  }
0x60: {  	_ =	shalt  }
0x61: {  	_ =	shalt  }
0x62: {  	_ =	shalt  }
0x63: {  	_ =	shalt  }
0x64: {  	_ =	shalt  }
0x65: {  	_ =	shalt  }
0x66: {  	_ =	shalt  }
0x67: {  	_ =	shalt  }
0x68: {  	_ =	shalt  }
0x69: {  	_ =	shalt  }
0x6a: {  	_ =	shalt  }
0x6b: {  	_ =	shalt  }
0x6c: {  	_ =	shalt  }
0x6d: {  	_ =	shalt  }
0x6e: {  	_ =	shalt  }
0x6f: {  	_ =	shalt  }
0x70: {  	_ =	shalt  }
0x71: {  	_ =	shalt  }
0x72: {  	_ =	shalt  }
0x73: {  	_ =	shalt  }
0x74: {  	_ =	shalt  }
0x75: {  	_ =	shalt  }
0x76: {  	_ =	shalt  }
0x77: {  	_ =	shalt  }
0x78: {  	_ =	shalt  }
0x79: {  	_ =	shalt  }
0x7a: {  	_ =	shalt  }
0x7b: {  	_ =	shalt  }
0x7c: {  	_ =	shalt  }
0x7d: {  	_ =	shalt  }
0x7e: {  	_ =	shalt  }
0x7f: {  	_ =	shalt  }
0x80: {  	_ =	shalt  }
0x81: {  	_ =	shalt  }
0x82: {  	_ =	shalt  }
0x83: {  	_ =	shalt  }
0x84: {  	_ =	shalt  }
0x85: {  	_ =	shalt  }
0x86: {  	_ =	shalt  }
0x87: {  	_ =	shalt  }
.Lfunc_end0:
.L_simem_size_0:
called_computation_lowered:
.L_overlay_start_0:
0x88: {  	s2 =	sld [smem:$0x3FD9]  }
0x89: {  	s3 =	sld [smem:$0x3FFE];
	_ =	sdelay $0x1  }
0x8a: {  	s1 =	srdreg.scid  }
0x8b: {  	s0 =	sand.u32 $0x1, s1  }
0x8c: {  	s17 =	sshll.u32 s0, $0xA;
	s2 =	sadd.s32 s3, s2  }
0x8d: {  	s2 =	sadd.s32 s2, s17  }
0x8e: {  	[smem:$0x3FB9] =	sst s2  }
0x8f: {  	_ = 	snop  }
0x90: {  	s2 =	sld [smem:$0x3FC9];
	(tm) =	ssettm $0x1  }
0x91: {  	s18 =	sld [smem:$0x3FFB];
	_ =	sdelay $0x3  }
0x92: {  	_ =	strace s18  }
0x93: {  	s3 =	sld [smem:$0x3FFC];
	_ =	sdelay $0x3  }
0x94: {  	_ =	strace s3  }
0x95: {  	s3 =	sld [smem:$0x3FFD];
	_ =	sdelay $0x3  }
0x96: {  	_ =	strace s3  }
0x97: {  	_ =	strace $0x8FFFFFFF  }
0x98: {  	s19 =	sld [smem:$0x3FDB];
	_ =	sdelay $0x1  }
0x99: {  	s4 =	simm.s32 $_scs_section_size  }
0x9a: {  	s5 =	simm.s32 $_size__tile_overlayer_lowered;
	s6 =	simm.s32 $_tile_overlayer_lowered  }
0x9b: {  	s22 =	simm.s32 $0x1BFF;
	s21 =	sshll.u32 s6, $0x1;
	s3 =	sadd.s32 s4, s19  }
0x9c: {  	s7 =	simm.s32 $0x0;
	s20 =	sshll.u32 s5, $0x1;
	s5 =	sadd.s32 s21, s3  }
0x9d: {  	[timem:s7], [sflag:s22] =	dma.local [hbm:s5], s20  }
0x9e: {  	_ =	swait.ge [sflag:s22], s20  }
0x9f: {  	s4 =	ssub.s32 $0x0, s20;
	[sflag:s22] =	ssyncset.done $0x0  }
0xa0: {  	[sflag:s22] =	ssyncadd.s32 s4;
	_ =	sdelay $0x1  }
0xa1: {  	s23 =	simm.s32 $0x1B8B  }
0xa2: {  	_ =	swait.ge [sflag:s23], $0x1  }
0xa3: {  	[sflag:s23] =	ssyncset.done $0x0  }
0xa4: {  	s25 =	simm.s32 $0x1B8E;
	s24 =	sld [smem:$0x3FFE];
	[sflag:s23] =	ssyncadd.s32 $0xFFFFFFFF  }
0xa5: {  	s26 =	simm.s32 $execute0_lowered;
	[smem:$0x3FD2] =	sst s25  }
0xa6: {  	s5 =	sshll.u32 s26, $0x1;
	_ =	strace $0x80000046;
	[dreg:$0x1] =	wrdreg $0xFFFFFFFF  }
0xa7: {  	s28 =	simm.s32 $_size_execute0_lowered;
	s3 =	sadd.s32 s3, s5;
	[dreg:$0x0] =	wrdreg $0x0  }
0xa8: {  	s5 =	sshll.u32 s28, $0x1;
	[dreg:$0x2] =	wrdreg s3  }
0xa9: {  	[dreg:$0x3] =	wrdreg s5  }
0xaa: {  	[dreg:$0x4] =	wrdreg $0xC0  }
0xab: {  	_ =	task [dreg:s7], $0x5FFFF  }
0xac: {  	[dreg:$0x1] =	wrdreg $0xFFFFFFFF  }
0xad: {  	[dreg:$0x0] =	wrdreg $0x60  }
0xae: {  	[dreg:$0x2] =	wrdreg s2  }
0xaf: {  	[dreg:$0x3] =	wrdreg s24  }
0xb0: {  	[dreg:$0x4] =	wrdreg $0x9  }
0xb1: {  	_ =	task.clear_ibuf [dreg:s7], $0x5FFFF;
	_ =	strace $0x90000046  }
0xb2: {  	s29 =	simm.s32 $0x9;
	_ =	strace $0x80000048  }
0xb3: {  	_ =	swait.ge [sflag:s29], $0x1  }
0xb4: {  	[sflag:s29] =	ssyncadd.s32 $0xFFFFFFFF  }
0xb5: {  	_ =	strace $0x90000048  }
0xb6: {  	_ =	sfence  }
0xb7: {  	s30 =	sld [smem:$0x0];
	_ =	sdelay $0x2  }
0xb8: {  	s31 =	sshll.u32 s1, $0xD;
	s1 =	sshrl.u32 s1, $0x2  }
0xb9: {  	s3 =	sand.u32 $0x4000, s31;
	s1 =	sadd.s32 s1, s30  }
0xba: {  	s0 =	sor.u32 s3, s0;
	s1 =	sshll.u32 s1, $0x11  }
0xbb: {  	s0 =	sor.u32 s1, s0  }
0xbc: {  	s0 =	sadd.s32 $0x8F2B, s0  }
0xbd: {  	[sflag:s0] =	ssyncadd.remote.s32 $0x1  }
0xbe: {  	_ =	sfence.sel $0xFFFF  }
0xbf: {  	[dreg:$0x0] =	wrdreg $0xFFFFFFFF;
	(pc) =	sbr.abs _section_cstart, $3  }
0xc0: {  	[dreg:$0x1] =	wrdreg $0xFFFFFFFF  }
0xc1: {  	_ =	task.clear_ibuf [dreg:s7], $0x2FFFF;
	_ =	strace $0x9FFFFFFF  }
0xc2: {  	(tm) =	ssettm $0x7FFFFFFF  }
0xc3: {  	_ =	shalt  }
tec
execute0_lowered:
.L_overlay_start_1:
0x0: {  	(tag) =	ssettag $0x1  }
0x1: {  	s1 =	srdreg.scid  }
0x2: {  	s3 =	rddreg [dreg:$0x0];
	s0 =	stileid.u32  }
0x3: {  	s8 =	rddreg [dreg:$0x1];
	s2 =	simm.s32 $0x0;
	s6 =	sand.u32 $0x1, s1  }
0x4: {  	s4 =	sshll.u32 s0, $0xA;
	s1 =	rddreg [dreg:$0x2];
	s5 =	sshll.u32 s6, $0x9  }
0x5: {  	s7 =	simm.s32 $0x1;
	[smem:$0x7FF] =	sst s2;
	s9 =	sor.u32 s5, s4  }
0x6: {  	_ =	strace $0x80000047;
	s10 =	ssub.s32 $0x2, s6;
	s4 =	sshrl.u32 s9, $0x3  }
0x7: {  	s6 =	simm.s32 $0x200;
	s4 =	sadd.s32 s3, s4;
	s3 =	simm.s32 $0x2  }
0x8: {  	[tilespmem:s2], [sflag:$0x2] =	stream.linear.gather [hbm4b:s4+s2], $0x200, $0x38;
	[tilespmem:$0x10200] =	vst v63  }
0x9: {  	s5 =	sadd.s32 $0xF45400, s8;
	s11 =	sshrl.u32 s10, $0x1;
	_ =	swait.ge [sflag:s3], $0x200  }
0xa: {  	s9 =	sshll.u32 s9, $0x4;
	s31 =	ssub.s32 s10, s11;
	[sflag:s3] =	ssyncset.done $0x0  }
0xb: {  	s8 =	sadd.s32 s9, s8;
	s9 =	smax.u32 s31, $0x1;
	[sflag:s3] =	ssyncadd.s32 $0xFFFFFE00  }
0xc: {  	[tilespmem:s6], [sflag:$0x1] =	stream.indirect.gather [hbm4b:s5+s6], $0x80, s2, s6, $0xb8;
	[tilespmem:$0x10200] =	vst v63  }
0xd: {  	p0 =	sne.s32 s9, $0x1;
	_ =	swait.ge [sflag:s7], $0x10000  }
.Ltmp0:
0xe: {  	[sflag:s7] =	ssyncset.done $0x0;
	(pc) =	sbr.rel @!p0 .LBB2_2-.Ltmp0, $4  }
0xf: {  	s8 =	sadd.s32 $0x3000, s8;
	[sflag:s7] =	ssyncadd.s32 $0xFFFF0000  }
0x10: {  	[hbm4b:s8+s2] =	stream.linear.scatter [tilespmem:s6], [sflag:$0x2], $0x10000, $0x38;
	[tilespmem:$0x10200] =	vst v63  }
0x11: {  	_ =	swait.ge [sflag:s3], $0x10000  }
0x12: {  	s9 =	sadd.s32 $0xFFFFFFFF, s9;
	[sflag:s3] =	ssyncset.done $0x0  }
.LBB2_1:
0x13: {  	p0 =	sne.s32 s9, $0x1;
	s9 =	sadd.s32 $0xFFFFFFFF, s9;
	[sflag:s3] =	ssyncadd.s32 $0xFFFF0000  }
0x14: {  	[tilespmem:s2], [sflag:$0x2] =	stream.linear.gather [hbm4b:s4+s2], $0x200, $0x38;
	[tilespmem:$0x10200] =	vst v63  }
0x15: {  	_ =	swait.ge [sflag:s3], $0x200  }
0x16: {  	[sflag:s3] =	ssyncset.done $0x0  }
0x17: {  	[sflag:s3] =	ssyncadd.s32 $0xFFFFFE00  }
0x18: {  	[tilespmem:s6], [sflag:$0x1] =	stream.indirect.gather [hbm4b:s5+s6], $0x80, s2, s6, $0xb8;
	[tilespmem:$0x10200] =	vst v63  }
0x19: {  	_ =	swait.ge [sflag:s7], $0x10000  }
.Ltmp1:
0x1a: {  	[sflag:s7] =	ssyncset.done $0x0;
	(pc) =	sbr.rel @p0 .LBB2_1-.Ltmp1, $4  }
0x1b: {  	[sflag:s7] =	ssyncadd.s32 $0xFFFF0000  }
0x1c: {  	[hbm4b:s8+s2] =	stream.linear.scatter [tilespmem:s6], [sflag:$0x2], $0x10000, $0x38;
	[tilespmem:$0x10200] =	vst v63  }
0x1d: {  	_ =	swait.ge [sflag:s3], $0x10000  }
0x1e: {  	[sflag:s3] =	ssyncset.done $0x0  }
.LBB2_2:
0x1f: {  	[sflag:s3] =	ssyncadd.s32 $0xFFFF0000  }
0x20: {  	_ =	sfence.sel $0x180000  }
0x21: {  	[bflag:$0x0] =	sbarrier.arrive $0xFFFF  }
0x22: {  	p0 =	sne.s32 s0, $0x0;
	_ =	strace $0x90000047  }
0x23: {  	s0 =	sadd.s32 @!p0 $0x100000, s1;
	[bflag:$0x2] =	sbarrier.arrive $0xFFFF  }
0x24: {  	[sflag:s0] =	ssyncadd.tile.s32 @!p0 $0x1;
	_ =	shalt  }
.Lfunc_end2:
_tile_overlayer_lowered:
.L_overlay_start_2:
0x25: {  	(tag) =	ssettag $0x2  }
0x26: {  	s0 =	rddreg [dreg:$0x0];
	s2 =	stileid.u32  }
0x27: {  	s1 =	rddreg [dreg:$0x1];
	p0 =	sne.s32 s2, $0x0  }
0x28: {  	s3 =	rddreg [dreg:$0x2];
	[bflag:$0x3] =	sbarrier.arrive $0xFFFF;
	s2 =	simm.s32 @!p0 $0x1C02  }
0x29: {  	[timem:s3], [sflag:s2] =	dma.local @!p0 [hbm:s0], s1  }
0x2a: {  	s0 =	simm.s32 @!p0 $0x2  }
0x2b: {  	_ =	swait.ge @!p0 [sflag:s0], s1  }
0x2c: {  	s1 =	ssub.s32 @!p0 $0x0, s1;
	[sflag:s0] =	ssyncset.done @!p0 $0x0  }
0x2d: {  	[sflag:s0] =	ssyncadd.s32 @!p0 s1  }
0x2e: {  	[bflag:$0x3] =	sbarrier.arrive $0xFFFF  }
0x2f: {  	_ =	shalt  }

</sc_bundles>
